<compile_context>
chip_gen: v7x
topology: tpu7x:2x2x1
jax: 0.10.2.dev20260603
libtpu: 0.0.44.dev20260713+nightly
codegen_flags: <defaults>
</compile_context>

<pallas_src>
import functools

import jax
import jax.numpy as jnp
from jax import lax
from jax.experimental import pallas as pl
from jax.experimental.pallas import tpu as pltpu
from jax.experimental.pallas import tpu_sc as plsc

NC = 2
NS = 16
NW = NC * NS
C = 48


def _make_sc_gather(n, d, dtype):
    b_per_w = n // NW
    n_full = b_per_w // C
    tail = b_per_w - n_full * C
    n_pairs = n_full // 2
    assert n_full - n_pairs * 2 == 1 and tail > 0
    mesh = plsc.VectorSubcoreMesh(core_axis_name="c", subcore_axis_name="s")

    @functools.partial(
        pl.kernel,
        out_type=jax.ShapeDtypeStruct((n, d), dtype),
        mesh=mesh,
        scratch_types=[
            pltpu.VMEM((b_per_w,), jnp.int32),
            pltpu.VMEM((C, d), dtype),
            pltpu.VMEM((C, d), dtype),
            pltpu.SemaphoreType.DMA,
            pltpu.SemaphoreType.DMA,
        ],
    )
    def gather_kernel(idx_hbm, table_hbm, out_hbm, idx_v, buf0, buf1, sem0, sem1):
        wid = lax.axis_index("c") * NS + lax.axis_index("s")
        base = wid * b_per_w

        def idx_at(j, size=C):
            return idx_v.at[pl.ds(j * C, size)]

        pltpu.sync_copy(
            idx_hbm.at[wid, 0, pl.ds(0, 128)], idx_v.at[pl.ds(0, 128)]
        )
        pltpu.async_copy(table_hbm.at[idx_at(0)], buf0, sem0)
        pltpu.sync_copy(
            idx_hbm.at[wid, 0, pl.ds(128, b_per_w - 128)],
            idx_v.at[pl.ds(128, b_per_w - 128)],
        )

        def body(p, _):
            j = p * 2
            pltpu.async_copy(table_hbm.at[idx_at(j + 1)], buf1, sem1)
            pltpu.make_async_copy(table_hbm.at[idx_at(0)], buf0, sem0).wait()
            pltpu.sync_copy(buf0, out_hbm.at[pl.ds(base + j * C, C)])
            pltpu.async_copy(table_hbm.at[idx_at(j + 2)], buf0, sem0)
            pltpu.make_async_copy(table_hbm.at[idx_at(0)], buf1, sem1).wait()
            pltpu.sync_copy(buf1, out_hbm.at[pl.ds(base + (j + 1) * C, C)])
            return ()

        lax.fori_loop(0, n_pairs, body, (), unroll=False)

        j = n_pairs * 2
        pltpu.async_copy(
            table_hbm.at[idx_at(n_full, tail)], buf1.at[pl.ds(0, tail)], sem1
        )
        pltpu.make_async_copy(table_hbm.at[idx_at(0)], buf0, sem0).wait()
        pltpu.sync_copy(buf0, out_hbm.at[pl.ds(base + j * C, C)])
        pltpu.make_async_copy(
            table_hbm.at[idx_at(n_full, tail)], buf1.at[pl.ds(0, tail)], sem1
        ).wait()
        pltpu.sync_copy(
            buf1.at[pl.ds(0, tail)],
            out_hbm.at[pl.ds(base + n_full * C, tail)],
        )

    return gather_kernel


def kernel(x, table):
    b, s = x.shape
    _, d = table.shape
    n = b * s
    idx = x.reshape(NW, 1, n // NW).astype(jnp.int32)
    out = _make_sc_gather(n, d, table.dtype)(idx, table)
    return out.reshape(b, s, d)

# --- scband reference (transcript-rebuilt; emitter-appended) ---
"""Pipeline reference for scband-positional-embedding-70574902608504 (READ-ONLY COPY).

The authoritative reference and input builder live on the scoring server;
editing this copy changes nothing except your own understanding.
"""

import jax, jax.numpy as jnp
import numpy as np

HIDDEN_DIM = 1024
MAX_LENGTH = 8192
BATCH = 4
SEQ_LEN = 8192

def setup_inputs(seed: int = 0) -> dict:
    key = jax.random.key(seed)
    k_idx, k_tab = jax.random.split(key)
    x = jax.random.randint(k_idx, (BATCH, SEQ_LEN), 0, MAX_LENGTH, dtype=jnp.int64 if jax.config.jax_enable_x64 else jnp.int32)
    table = jax.random.normal(k_tab, (MAX_LENGTH, HIDDEN_DIM), dtype=jnp.float32)
    return {"x": x, "table": table}

def reference(x, table):
    # nn.Embedding lookup: gather rows of the positional embedding table
    return jnp.take(table, x, axis=0)

if __name__ == "__main__":
    import jax
    _d = setup_inputs()
    print(jax.jit(kernel)(*tuple(_d.values())))

</pallas_src>

<mosaic_0001>
#map = affine_map<(d0, d1) -> (0, 0, 0)>
#map1 = affine_map<(d0, d1) -> (0, 0)>
module attributes {stable_mosaic.version = 14 : i64} {
  func.func @gather_kernel(%arg0: i32, %arg1: i32, %arg2: memref<32x1x1024xi32, #tpu.memory_space<hbm>>, %arg3: memref<8192x1024xf32, #tpu.memory_space<hbm>>, %arg4: memref<32768x1024xf32, #tpu.memory_space<hbm>>, %arg5: memref<1024xi32, #tpu.memory_space<vmem>>, %arg6: memref<48x1024xf32, #tpu.memory_space<vmem>>, %arg7: memref<48x1024xf32, #tpu.memory_space<vmem>>, %arg8: memref<!tpu.dma_semaphore, #tpu.memory_space<semaphore_mem>>, %arg9: memref<!tpu.dma_semaphore, #tpu.memory_space<semaphore_mem>>) attributes {dimension_semantics = [#tpu.dimension_semantics<core_parallel>, #tpu.dimension_semantics<subcore_parallel>], iteration_bounds = array<i64: 2, 16>, scalar_prefetch = 0 : i64, scratch_operands = 5 : i64, tpu.core_type = #tpu.core_type<sc_vector_subcore>, window_params = [{transform_indices = #map}, {transform_indices = #map1}, {transform_indices = #map1}]} {
    %mul3A = arith.constant 16 : i32
    %mul3A_0 = arith.muli %arg0, %mul3A : i32
    %add3A = arith.addi %mul3A_0, %arg1 : i32
    %mul3A_1 = arith.constant 1024 : i32
    %mul3A_2 = arith.muli %add3A, %mul3A_1 : i32
    %run_scoped3A = arith.constant 0 : i32
    "tpu.region"() ({
      %run_scoped3A_36 = tpu.sem_alloc : memref<!tpu.dma_semaphore, #tpu.memory_space<semaphore_mem>>
      %dma_start3A_37 = arith.constant 0 : i32
      %dma_start3A_38 = tpu.memref_slice %arg5[%dma_start3A_37] : memref<1024xi32, #tpu.memory_space<vmem>> -> memref<128xi32, #tpu.memory_space<vmem>>
      %dma_start3A_39 = arith.constant 0 : i32
      %dma_start3A_40 = tpu.memref_slice %arg2[%add3A, %run_scoped3A, %dma_start3A_39] : memref<32x1x1024xi32, #tpu.memory_space<hbm>> -> memref<1x1x128xi32, #tpu.memory_space<hbm>>
      %dma_start3A_41 = tpu.memref_squeeze %dma_start3A_40 : memref<1x1x128xi32, #tpu.memory_space<hbm>> -> memref<128xi32, #tpu.memory_space<hbm>>
      %dma_start3A_42 = arith.constant 0 : i32
      %dma_start3A_43 = tpu.memref_slice %arg5[%dma_start3A_42] : memref<1024xi32, #tpu.memory_space<vmem>> -> memref<128xi32, #tpu.memory_space<vmem>>
      %dma_start3A_44 = arith.constant 0 : i32
      %dma_start3A_45 = tpu.memref_slice %arg2[%add3A, %run_scoped3A, %dma_start3A_44] : memref<32x1x1024xi32, #tpu.memory_space<hbm>> -> memref<1x1x128xi32, #tpu.memory_space<hbm>>
      %dma_start3A_46 = tpu.memref_squeeze %dma_start3A_45 : memref<1x1x128xi32, #tpu.memory_space<hbm>> -> memref<128xi32, #tpu.memory_space<hbm>>
      tpu.enqueue_dma source(%dma_start3A_46 : memref<128xi32, #tpu.memory_space<hbm>>) target(%dma_start3A_43 : memref<128xi32, #tpu.memory_space<vmem>>) target_semaphore(%run_scoped3A_36 : memref<!tpu.dma_semaphore, #tpu.memory_space<semaphore_mem>>)
      %dma_wait3A_47 = arith.constant 0 : i32
      %dma_wait3A_48 = tpu.memref_slice %arg5[%dma_wait3A_47] : memref<1024xi32, #tpu.memory_space<vmem>> -> memref<128xi32, #tpu.memory_space<vmem>>
      %dma_wait3A_49 = arith.constant 0 : i32
      %dma_wait3A_50 = tpu.memref_slice %arg2[%add3A, %run_scoped3A, %dma_wait3A_49] : memref<32x1x1024xi32, #tpu.memory_space<hbm>> -> memref<1x1x128xi32, #tpu.memory_space<hbm>>
      %dma_wait3A_51 = tpu.memref_squeeze %dma_wait3A_50 : memref<1x1x128xi32, #tpu.memory_space<hbm>> -> memref<128xi32, #tpu.memory_space<hbm>>
      %dma_wait3A_52 = arith.constant 0 : i32
      %dma_wait3A_53 = tpu.memref_slice %arg5[%dma_wait3A_52] : memref<1024xi32, #tpu.memory_space<vmem>> -> memref<128xi32, #tpu.memory_space<vmem>>
      %dma_wait3A_54 = arith.constant 0 : i32
      %dma_wait3A_55 = tpu.memref_slice %arg2[%add3A, %run_scoped3A, %dma_wait3A_54] : memref<32x1x1024xi32, #tpu.memory_space<hbm>> -> memref<1x1x128xi32, #tpu.memory_space<hbm>>
      %dma_wait3A_56 = tpu.memref_squeeze %dma_wait3A_55 : memref<1x1x128xi32, #tpu.memory_space<hbm>> -> memref<128xi32, #tpu.memory_space<hbm>>
      tpu.wait_dma2 semaphore(%run_scoped3A_36 : memref<!tpu.dma_semaphore, #tpu.memory_space<semaphore_mem>>) src(%dma_wait3A_56 : memref<128xi32, #tpu.memory_space<hbm>>) dst(%dma_wait3A_53 : memref<128xi32, #tpu.memory_space<vmem>>)
      tpu.yield
    }) : () -> ()
    %dma_start3A = arith.constant 0 : i32
    %dma_start3A_3 = tpu.memref_slice %arg5[%dma_start3A] : memref<1024xi32, #tpu.memory_space<vmem>> -> memref<48xi32, #tpu.memory_space<vmem>>
    %dma_start3A_4 = arith.constant 0 : i32
    %dma_start3A_5 = arith.constant 0 : i32
    %dma_start3A_6 = tpu.memref_slice %arg3[%dma_start3A_4, %dma_start3A_5] : memref<8192x1024xf32, #tpu.memory_space<hbm>> -> memref<8192x1024xf32, #tpu.memory_space<hbm>>
    tpu.enqueue_indirect_dma source(%dma_start3A_6 : memref<8192x1024xf32, #tpu.memory_space<hbm>>) target(%arg6 : memref<48x1024xf32, #tpu.memory_space<vmem>>) offsets(%dma_start3A_3 : memref<48xi32, #tpu.memory_space<vmem>>) semaphore(%arg8 : memref<!tpu.dma_semaphore, #tpu.memory_space<semaphore_mem>>)
    %run_scoped3A_7 = arith.constant 0 : i32
    "tpu.region"() ({
      %run_scoped3A_36 = tpu.sem_alloc : memref<!tpu.dma_semaphore, #tpu.memory_space<semaphore_mem>>
      %dma_start3A_37 = arith.constant 128 : i32
      %dma_start3A_38 = tpu.memref_slice %arg5[%dma_start3A_37] : memref<1024xi32, #tpu.memory_space<vmem>> -> memref<896xi32, #tpu.memory_space<vmem>>
      %dma_start3A_39 = arith.constant 128 : i32
      %dma_start3A_40 = tpu.memref_slice %arg2[%add3A, %run_scoped3A_7, %dma_start3A_39] : memref<32x1x1024xi32, #tpu.memory_space<hbm>> -> memref<1x1x896xi32, #tpu.memory_space<hbm>>
      %dma_start3A_41 = tpu.memref_squeeze %dma_start3A_40 : memref<1x1x896xi32, #tpu.memory_space<hbm>> -> memref<896xi32, #tpu.memory_space<hbm>>
      %dma_start3A_42 = arith.constant 128 : i32
      %dma_start3A_43 = tpu.memref_slice %arg5[%dma_start3A_42] : memref<1024xi32, #tpu.memory_space<vmem>> -> memref<896xi32, #tpu.memory_space<vmem>>
      %dma_start3A_44 = arith.constant 128 : i32
      %dma_start3A_45 = tpu.memref_slice %arg2[%add3A, %run_scoped3A_7, %dma_start3A_44] : memref<32x1x1024xi32, #tpu.memory_space<hbm>> -> memref<1x1x896xi32, #tpu.memory_space<hbm>>
      %dma_start3A_46 = tpu.memref_squeeze %dma_start3A_45 : memref<1x1x896xi32, #tpu.memory_space<hbm>> -> memref<896xi32, #tpu.memory_space<hbm>>
      tpu.enqueue_dma source(%dma_start3A_46 : memref<896xi32, #tpu.memory_space<hbm>>) target(%dma_start3A_43 : memref<896xi32, #tpu.memory_space<vmem>>) target_semaphore(%run_scoped3A_36 : memref<!tpu.dma_semaphore, #tpu.memory_space<semaphore_mem>>)
      %dma_wait3A_47 = arith.constant 128 : i32
      %dma_wait3A_48 = tpu.memref_slice %arg5[%dma_wait3A_47] : memref<1024xi32, #tpu.memory_space<vmem>> -> memref<896xi32, #tpu.memory_space<vmem>>
      %dma_wait3A_49 = arith.constant 128 : i32
      %dma_wait3A_50 = tpu.memref_slice %arg2[%add3A, %run_scoped3A_7, %dma_wait3A_49] : memref<32x1x1024xi32, #tpu.memory_space<hbm>> -> memref<1x1x896xi32, #tpu.memory_space<hbm>>
      %dma_wait3A_51 = tpu.memref_squeeze %dma_wait3A_50 : memref<1x1x896xi32, #tpu.memory_space<hbm>> -> memref<896xi32, #tpu.memory_space<hbm>>
      %dma_wait3A_52 = arith.constant 128 : i32
      %dma_wait3A_53 = tpu.memref_slice %arg5[%dma_wait3A_52] : memref<1024xi32, #tpu.memory_space<vmem>> -> memref<896xi32, #tpu.memory_space<vmem>>
      %dma_wait3A_54 = arith.constant 128 : i32
      %dma_wait3A_55 = tpu.memref_slice %arg2[%add3A, %run_scoped3A_7, %dma_wait3A_54] : memref<32x1x1024xi32, #tpu.memory_space<hbm>> -> memref<1x1x896xi32, #tpu.memory_space<hbm>>
      %dma_wait3A_56 = tpu.memref_squeeze %dma_wait3A_55 : memref<1x1x896xi32, #tpu.memory_space<hbm>> -> memref<896xi32, #tpu.memory_space<hbm>>
      tpu.wait_dma2 semaphore(%run_scoped3A_36 : memref<!tpu.dma_semaphore, #tpu.memory_space<semaphore_mem>>) src(%dma_wait3A_56 : memref<896xi32, #tpu.memory_space<hbm>>) dst(%dma_wait3A_53 : memref<896xi32, #tpu.memory_space<vmem>>)
      tpu.yield
    }) : () -> ()
    %scan3A = arith.constant 0 : i32
    %scan3A_8 = arith.constant 10 : i32
    %scan3A_9 = arith.addi %scan3A, %scan3A_8 : i32
    %scan3A_10 = arith.constant 1 : i32
    scf.for %scan3A_36 = %scan3A to %scan3A_9 step %scan3A_10  : i32 {
      %mul3A_37 = arith.constant 2 : i32
      %mul3A_38 = arith.muli %scan3A_36, %mul3A_37 : i32
      %add3A_39 = arith.constant 1 : i32
      %add3A_40 = arith.addi %mul3A_38, %add3A_39 : i32
      %mul3A_41 = arith.constant 48 : i32
      %mul3A_42 = arith.muli %add3A_40, %mul3A_41 : i32
      %dma_start3A_43 = tpu.memref_slice %arg5[%mul3A_42] : memref<1024xi32, #tpu.memory_space<vmem>> -> memref<48xi32, #tpu.memory_space<vmem>>
      %dma_start3A_44 = arith.constant 0 : i32
      %dma_start3A_45 = arith.constant 0 : i32
      %dma_start3A_46 = tpu.memref_slice %arg3[%dma_start3A_44, %dma_start3A_45] : memref<8192x1024xf32, #tpu.memory_space<hbm>> -> memref<8192x1024xf32, #tpu.memory_space<hbm>>
      tpu.enqueue_indirect_dma source(%dma_start3A_46 : memref<8192x1024xf32, #tpu.memory_space<hbm>>) target(%arg7 : memref<48x1024xf32, #tpu.memory_space<vmem>>) offsets(%dma_start3A_43 : memref<48xi32, #tpu.memory_space<vmem>>) semaphore(%arg9 : memref<!tpu.dma_semaphore, #tpu.memory_space<semaphore_mem>>)
      %dma_wait3A_47 = arith.constant 0 : i32
      %dma_wait3A_48 = tpu.memref_slice %arg5[%dma_wait3A_47] : memref<1024xi32, #tpu.memory_space<vmem>> -> memref<48xi32, #tpu.memory_space<vmem>>
      %dma_wait3A_49 = arith.constant 0 : i32
      %dma_wait3A_50 = arith.constant 0 : i32
      %dma_wait3A_51 = tpu.memref_slice %arg3[%dma_wait3A_49, %dma_wait3A_50] : memref<8192x1024xf32, #tpu.memory_space<hbm>> -> memref<8192x1024xf32, #tpu.memory_space<hbm>>
      tpu.wait_indirect_dma semaphore(%arg8 : memref<!tpu.dma_semaphore, #tpu.memory_space<semaphore_mem>>) src(%dma_wait3A_51 : memref<8192x1024xf32, #tpu.memory_space<hbm>>) dst(%arg6 : memref<48x1024xf32, #tpu.memory_space<vmem>>)
      %mul3A_52 = arith.constant 48 : i32
      %mul3A_53 = arith.muli %mul3A_38, %mul3A_52 : i32
      %add3A_54 = arith.addi %mul3A_2, %mul3A_53 : i32
      "tpu.region"() ({
        %run_scoped3A_73 = tpu.sem_alloc : memref<!tpu.dma_semaphore, #tpu.memory_space<semaphore_mem>>
        %dma_start3A_74 = arith.constant 0 : i32
        %dma_start3A_75 = tpu.memref_slice %arg4[%add3A_54, %dma_start3A_74] : memref<32768x1024xf32, #tpu.memory_space<hbm>> -> memref<48x1024xf32, #tpu.memory_space<hbm>>
        %dma_start3A_76 = arith.constant 0 : i32
        %dma_start3A_77 = tpu.memref_slice %arg4[%add3A_54, %dma_start3A_76] : memref<32768x1024xf32, #tpu.memory_space<hbm>> -> memref<48x1024xf32, #tpu.memory_space<hbm>>
        tpu.enqueue_dma source(%arg6 : memref<48x1024xf32, #tpu.memory_space<vmem>>) target(%dma_start3A_77 : memref<48x1024xf32, #tpu.memory_space<hbm>>) target_semaphore(%run_scoped3A_73 : memref<!tpu.dma_semaphore, #tpu.memory_space<semaphore_mem>>)
        %dma_wait3A_78 = arith.constant 0 : i32
        %dma_wait3A_79 = tpu.memref_slice %arg4[%add3A_54, %dma_wait3A_78] : memref<32768x1024xf32, #tpu.memory_space<hbm>> -> memref<48x1024xf32, #tpu.memory_space<hbm>>
        %dma_wait3A_80 = arith.constant 0 : i32
        %dma_wait3A_81 = tpu.memref_slice %arg4[%add3A_54, %dma_wait3A_80] : memref<32768x1024xf32, #tpu.memory_space<hbm>> -> memref<48x1024xf32, #tpu.memory_space<hbm>>
        tpu.wait_dma2 semaphore(%run_scoped3A_73 : memref<!tpu.dma_semaphore, #tpu.memory_space<semaphore_mem>>) src(%arg6 : memref<48x1024xf32, #tpu.memory_space<vmem>>) dst(%dma_wait3A_81 : memref<48x1024xf32, #tpu.memory_space<hbm>>)
        tpu.yield
      }) : () -> ()
      %add3A_55 = arith.constant 2 : i32
      %add3A_56 = arith.addi %mul3A_38, %add3A_55 : i32
      %mul3A_57 = arith.constant 48 : i32
      %mul3A_58 = arith.muli %add3A_56, %mul3A_57 : i32
      %dma_start3A_59 = tpu.memref_slice %arg5[%mul3A_58] : memref<1024xi32, #tpu.memory_space<vmem>> -> memref<48xi32, #tpu.memory_space<vmem>>
      %dma_start3A_60 = arith.constant 0 : i32
      %dma_start3A_61 = arith.constant 0 : i32
      %dma_start3A_62 = tpu.memref_slice %arg3[%dma_start3A_60, %dma_start3A_61] : memref<8192x1024xf32, #tpu.memory_space<hbm>> -> memref<8192x1024xf32, #tpu.memory_space<hbm>>
      tpu.enqueue_indirect_dma source(%dma_start3A_62 : memref<8192x1024xf32, #tpu.memory_space<hbm>>) target(%arg6 : memref<48x1024xf32, #tpu.memory_space<vmem>>) offsets(%dma_start3A_59 : memref<48xi32, #tpu.memory_space<vmem>>) semaphore(%arg8 : memref<!tpu.dma_semaphore, #tpu.memory_space<semaphore_mem>>)
      %dma_wait3A_63 = arith.constant 0 : i32
      %dma_wait3A_64 = tpu.memref_slice %arg5[%dma_wait3A_63] : memref<1024xi32, #tpu.memory_space<vmem>> -> memref<48xi32, #tpu.memory_space<vmem>>
      %dma_wait3A_65 = arith.constant 0 : i32
      %dma_wait3A_66 = arith.constant 0 : i32
      %dma_wait3A_67 = tpu.memref_slice %arg3[%dma_wait3A_65, %dma_wait3A_66] : memref<8192x1024xf32, #tpu.memory_space<hbm>> -> memref<8192x1024xf32, #tpu.memory_space<hbm>>
      tpu.wait_indirect_dma semaphore(%arg9 : memref<!tpu.dma_semaphore, #tpu.memory_space<semaphore_mem>>) src(%dma_wait3A_67 : memref<8192x1024xf32, #tpu.memory_space<hbm>>) dst(%arg7 : memref<48x1024xf32, #tpu.memory_space<vmem>>)
      %add3A_68 = arith.constant 1 : i32
      %add3A_69 = arith.addi %mul3A_38, %add3A_68 : i32
      %mul3A_70 = arith.constant 48 : i32
      %mul3A_71 = arith.muli %add3A_69, %mul3A_70 : i32
      %add3A_72 = arith.addi %mul3A_2, %mul3A_71 : i32
      "tpu.region"() ({
        %run_scoped3A_73 = tpu.sem_alloc : memref<!tpu.dma_semaphore, #tpu.memory_space<semaphore_mem>>
        %dma_start3A_74 = arith.constant 0 : i32
        %dma_start3A_75 = tpu.memref_slice %arg4[%add3A_72, %dma_start3A_74] : memref<32768x1024xf32, #tpu.memory_space<hbm>> -> memref<48x1024xf32, #tpu.memory_space<hbm>>
        %dma_start3A_76 = arith.constant 0 : i32
        %dma_start3A_77 = tpu.memref_slice %arg4[%add3A_72, %dma_start3A_76] : memref<32768x1024xf32, #tpu.memory_space<hbm>> -> memref<48x1024xf32, #tpu.memory_space<hbm>>
        tpu.enqueue_dma source(%arg7 : memref<48x1024xf32, #tpu.memory_space<vmem>>) target(%dma_start3A_77 : memref<48x1024xf32, #tpu.memory_space<hbm>>) target_semaphore(%run_scoped3A_73 : memref<!tpu.dma_semaphore, #tpu.memory_space<semaphore_mem>>)
        %dma_wait3A_78 = arith.constant 0 : i32
        %dma_wait3A_79 = tpu.memref_slice %arg4[%add3A_72, %dma_wait3A_78] : memref<32768x1024xf32, #tpu.memory_space<hbm>> -> memref<48x1024xf32, #tpu.memory_space<hbm>>
        %dma_wait3A_80 = arith.constant 0 : i32
        %dma_wait3A_81 = tpu.memref_slice %arg4[%add3A_72, %dma_wait3A_80] : memref<32768x1024xf32, #tpu.memory_space<hbm>> -> memref<48x1024xf32, #tpu.memory_space<hbm>>
        tpu.wait_dma2 semaphore(%run_scoped3A_73 : memref<!tpu.dma_semaphore, #tpu.memory_space<semaphore_mem>>) src(%arg7 : memref<48x1024xf32, #tpu.memory_space<vmem>>) dst(%dma_wait3A_81 : memref<48x1024xf32, #tpu.memory_space<hbm>>)
        tpu.yield
      }) : () -> ()
    }
    %scan3A_11 = arith.constant 10 : i32
    %dma_start3A_12 = arith.constant 0 : i32
    %dma_start3A_13 = arith.constant 0 : i32
    %dma_start3A_14 = tpu.memref_slice %arg7[%dma_start3A_12, %dma_start3A_13] : memref<48x1024xf32, #tpu.memory_space<vmem>> -> memref<16x1024xf32, #tpu.memory_space<vmem>>
    %dma_start3A_15 = arith.constant 1008 : i32
    %dma_start3A_16 = tpu.memref_slice %arg5[%dma_start3A_15] : memref<1024xi32, #tpu.memory_space<vmem>> -> memref<16xi32, #tpu.memory_space<vmem>>
    %dma_start3A_17 = arith.constant 0 : i32
    %dma_start3A_18 = arith.constant 0 : i32
    %dma_start3A_19 = tpu.memref_slice %arg3[%dma_start3A_17, %dma_start3A_18] : memref<8192x1024xf32, #tpu.memory_space<hbm>> -> memref<8192x1024xf32, #tpu.memory_space<hbm>>
    tpu.enqueue_indirect_dma source(%dma_start3A_19 : memref<8192x1024xf32, #tpu.memory_space<hbm>>) target(%dma_start3A_14 : memref<16x1024xf32, #tpu.memory_space<vmem>>) offsets(%dma_start3A_16 : memref<16xi32, #tpu.memory_space<vmem>>) semaphore(%arg9 : memref<!tpu.dma_semaphore, #tpu.memory_space<semaphore_mem>>)
    %dma_wait3A = arith.constant 0 : i32
    %dma_wait3A_20 = tpu.memref_slice %arg5[%dma_wait3A] : memref<1024xi32, #tpu.memory_space<vmem>> -> memref<48xi32, #tpu.memory_space<vmem>>
    %dma_wait3A_21 = arith.constant 0 : i32
    %dma_wait3A_22 = arith.constant 0 : i32
    %dma_wait3A_23 = tpu.memref_slice %arg3[%dma_wait3A_21, %dma_wait3A_22] : memref<8192x1024xf32, #tpu.memory_space<hbm>> -> memref<8192x1024xf32, #tpu.memory_space<hbm>>
    tpu.wait_indirect_dma semaphore(%arg8 : memref<!tpu.dma_semaphore, #tpu.memory_space<semaphore_mem>>) src(%dma_wait3A_23 : memref<8192x1024xf32, #tpu.memory_space<hbm>>) dst(%arg6 : memref<48x1024xf32, #tpu.memory_space<vmem>>)
    %add3A_24 = arith.constant 960 : i32
    %add3A_25 = arith.addi %mul3A_2, %add3A_24 : i32
    "tpu.region"() ({
      %run_scoped3A_36 = tpu.sem_alloc : memref<!tpu.dma_semaphore, #tpu.memory_space<semaphore_mem>>
      %dma_start3A_37 = arith.constant 0 : i32
      %dma_start3A_38 = tpu.memref_slice %arg4[%add3A_25, %dma_start3A_37] : memref<32768x1024xf32, #tpu.memory_space<hbm>> -> memref<48x1024xf32, #tpu.memory_space<hbm>>
      %dma_start3A_39 = arith.constant 0 : i32
      %dma_start3A_40 = tpu.memref_slice %arg4[%add3A_25, %dma_start3A_39] : memref<32768x1024xf32, #tpu.memory_space<hbm>> -> memref<48x1024xf32, #tpu.memory_space<hbm>>
      tpu.enqueue_dma source(%arg6 : memref<48x1024xf32, #tpu.memory_space<vmem>>) target(%dma_start3A_40 : memref<48x1024xf32, #tpu.memory_space<hbm>>) target_semaphore(%run_scoped3A_36 : memref<!tpu.dma_semaphore, #tpu.memory_space<semaphore_mem>>)
      %dma_wait3A_41 = arith.constant 0 : i32
      %dma_wait3A_42 = tpu.memref_slice %arg4[%add3A_25, %dma_wait3A_41] : memref<32768x1024xf32, #tpu.memory_space<hbm>> -> memref<48x1024xf32, #tpu.memory_space<hbm>>
      %dma_wait3A_43 = arith.constant 0 : i32
      %dma_wait3A_44 = tpu.memref_slice %arg4[%add3A_25, %dma_wait3A_43] : memref<32768x1024xf32, #tpu.memory_space<hbm>> -> memref<48x1024xf32, #tpu.memory_space<hbm>>
      tpu.wait_dma2 semaphore(%run_scoped3A_36 : memref<!tpu.dma_semaphore, #tpu.memory_space<semaphore_mem>>) src(%arg6 : memref<48x1024xf32, #tpu.memory_space<vmem>>) dst(%dma_wait3A_44 : memref<48x1024xf32, #tpu.memory_space<hbm>>)
      tpu.yield
    }) : () -> ()
    %dma_wait3A_26 = arith.constant 0 : i32
    %dma_wait3A_27 = arith.constant 0 : i32
    %dma_wait3A_28 = tpu.memref_slice %arg7[%dma_wait3A_26, %dma_wait3A_27] : memref<48x1024xf32, #tpu.memory_space<vmem>> -> memref<16x1024xf32, #tpu.memory_space<vmem>>
    %dma_wait3A_29 = arith.constant 1008 : i32
    %dma_wait3A_30 = tpu.memref_slice %arg5[%dma_wait3A_29] : memref<1024xi32, #tpu.memory_space<vmem>> -> memref<16xi32, #tpu.memory_space<vmem>>
    %dma_wait3A_31 = arith.constant 0 : i32
    %dma_wait3A_32 = arith.constant 0 : i32
    %dma_wait3A_33 = tpu.memref_slice %arg3[%dma_wait3A_31, %dma_wait3A_32] : memref<8192x1024xf32, #tpu.memory_space<hbm>> -> memref<8192x1024xf32, #tpu.memory_space<hbm>>
    tpu.wait_indirect_dma semaphore(%arg9 : memref<!tpu.dma_semaphore, #tpu.memory_space<semaphore_mem>>) src(%dma_wait3A_33 : memref<8192x1024xf32, #tpu.memory_space<hbm>>) dst(%dma_wait3A_28 : memref<16x1024xf32, #tpu.memory_space<vmem>>)
    %add3A_34 = arith.constant 1008 : i32
    %add3A_35 = arith.addi %mul3A_2, %add3A_34 : i32
    "tpu.region"() ({
      %run_scoped3A_36 = tpu.sem_alloc : memref<!tpu.dma_semaphore, #tpu.memory_space<semaphore_mem>>
      %dma_start3A_37 = arith.constant 0 : i32
      %dma_start3A_38 = arith.constant 0 : i32
      %dma_start3A_39 = tpu.memref_slice %arg7[%dma_start3A_37, %dma_start3A_38] : memref<48x1024xf32, #tpu.memory_space<vmem>> -> memref<16x1024xf32, #tpu.memory_space<vmem>>
      %dma_start3A_40 = arith.constant 0 : i32
      %dma_start3A_41 = tpu.memref_slice %arg4[%add3A_35, %dma_start3A_40] : memref<32768x1024xf32, #tpu.memory_space<hbm>> -> memref<16x1024xf32, #tpu.memory_space<hbm>>
      %dma_start3A_42 = arith.constant 0 : i32
      %dma_start3A_43 = tpu.memref_slice %arg4[%add3A_35, %dma_start3A_42] : memref<32768x1024xf32, #tpu.memory_space<hbm>> -> memref<16x1024xf32, #tpu.memory_space<hbm>>
      %dma_start3A_44 = arith.constant 0 : i32
      %dma_start3A_45 = arith.constant 0 : i32
      %dma_start3A_46 = tpu.memref_slice %arg7[%dma_start3A_44, %dma_start3A_45] : memref<48x1024xf32, #tpu.memory_space<vmem>> -> memref<16x1024xf32, #tpu.memory_space<vmem>>
      tpu.enqueue_dma source(%dma_start3A_46 : memref<16x1024xf32, #tpu.memory_space<vmem>>) target(%dma_start3A_43 : memref<16x1024xf32, #tpu.memory_space<hbm>>) target_semaphore(%run_scoped3A_36 : memref<!tpu.dma_semaphore, #tpu.memory_space<semaphore_mem>>)
      %dma_wait3A_47 = arith.constant 0 : i32
      %dma_wait3A_48 = arith.constant 0 : i32
      %dma_wait3A_49 = tpu.memref_slice %arg7[%dma_wait3A_47, %dma_wait3A_48] : memref<48x1024xf32, #tpu.memory_space<vmem>> -> memref<16x1024xf32, #tpu.memory_space<vmem>>
      %dma_wait3A_50 = arith.constant 0 : i32
      %dma_wait3A_51 = tpu.memref_slice %arg4[%add3A_35, %dma_wait3A_50] : memref<32768x1024xf32, #tpu.memory_space<hbm>> -> memref<16x1024xf32, #tpu.memory_space<hbm>>
      %dma_wait3A_52 = arith.constant 0 : i32
      %dma_wait3A_53 = tpu.memref_slice %arg4[%add3A_35, %dma_wait3A_52] : memref<32768x1024xf32, #tpu.memory_space<hbm>> -> memref<16x1024xf32, #tpu.memory_space<hbm>>
      %dma_wait3A_54 = arith.constant 0 : i32
      %dma_wait3A_55 = arith.constant 0 : i32
      %dma_wait3A_56 = tpu.memref_slice %arg7[%dma_wait3A_54, %dma_wait3A_55] : memref<48x1024xf32, #tpu.memory_space<vmem>> -> memref<16x1024xf32, #tpu.memory_space<vmem>>
      tpu.wait_dma2 semaphore(%run_scoped3A_36 : memref<!tpu.dma_semaphore, #tpu.memory_space<semaphore_mem>>) src(%dma_wait3A_56 : memref<16x1024xf32, #tpu.memory_space<vmem>>) dst(%dma_wait3A_53 : memref<16x1024xf32, #tpu.memory_space<hbm>>)
      tpu.yield
    }) : () -> ()
    return
  }
}

</mosaic_0001>

<sc_bundles>
// kernel: kernel.3.cloned.1.call-start
scs
__scs_entry_jumppad:
0x0: {  	(pc) =	sbr.rel $0x88, $3  }
0x1: {  	(tag) =	ssettag $0x0;
	lr =	simm.s32 $0x1  }
0x2: {  	[smem:$0x3F9F] =	sst lr;
	_ =	strace $0xD0000000  }
0x3: {  	_ = 	snop  }
0x4: {  	_ = 	snop  }
0x5: {  	_ = 	snop  }
0x6: {  	_ = 	snop  }
0x7: {  	_ = 	snop  }
__scs_overlays_trampoline_lowered:
0x8: {  	[smem:$0x3FAE] =	sst s0  }
0x9: {  	[smem:$0x3FAF] =	sst s1  }
0xa: {  	[smem:$0x3FB0] =	sst s2  }
0xb: {  	[smem:$0x3FB1] =	sst s3  }
0xc: {  	[smem:$0x3FB2] =	sst s4  }
0xd: {  	[smem:$0x3FB3] =	sst s5  }
0xe: {  	[smem:$0x3FB4] =	sst s6  }
0xf: {  	[smem:$0x3FB5] =	sst s7  }
0x10: {  	[smem:$0x3FB6] =	sst s8  }
0x11: {  	[smem:$0x3FB7] =	sst s9;
	s0 =	simm.s32 @!p0 $0x0  }
0x12: {  	s1 =	sld [smem:$0x3F9D];
	s0 =	simm.s32 @p0 $0x1  }
0x13: {  	[smem:$0x3FB8] =	sst s0;
	s0 =	simm.s32 @!p1 $0x0  }
0x14: {  	s2 =	sld [smem:$0x3F9C];
	s0 =	simm.s32 @p1 $0x1  }
0x15: {  	[smem:$0x3FB9] =	sst s0;
	s0 =	simm.s32 @!p2 $0x0  }
0x16: {  	s3 =	sld [smem:$0x3FDB];
	s0 =	simm.s32 @p2 $0x1  }
0x17: {  	s4 =	simm.s32 $0x1BF5;
	[smem:$0x3FBB] =	sst s0  }
0x18: {  	s0 =	sld [smem:$0x3F9E];
	_ =	swait.ge [sflag:s4], $0x0  }
0x19: {  	s7 =	sld [smem:$0x3F9F]  }
0x1a: {  	s8 =	sadd.s32 $0xFFFFE003, lr  }
0x1b: {  	s9 =	sadd.s32 $0xFFFFFEF7, lr;
	s5 =	simm.s32 $0xFFFFFFFF;
	p2 =	slt.u32 s8, $0xFFFFF086  }
0x1c: {  	p1 =	slt.u32 s9, $0xF7A;
	s5 =	simm.s32 @!p2 $0x0  }
0x1d: {  	s5 =	simm.s32 @p1 $0x1;
	p0 =	seq.s32 s7, s2  }
0x1e: {  	s7 =	smul.u32 @!p0 $0xF7A, s2;
	p2 =	seq.s32 @!p0 s5, $0x0  }
0x1f: {  	s9 =	smul.u32 $0xF7A, s1;
	s8 =	simm.s32 @!p0 $0x1BF5;
	p2 =	por !p2, p0  }
0x20: {  	[sflag:s8] =	ssyncset.s32 @!p0 $0xFFFFF086;
	s6 =	sadd.s32 @!p0 s3, s7;
	s7 =	simm.s32 @!p0 $0x108  }
0x21: {  	s3 =	sadd.s32 s3, s9;
	s6 =	sadd.s32 @!p0 $0x88, s6;
	s7 =	simm.s32 @p2 $0x1082  }
0x22: {  	[simem:s7], [sflag:s8] =	dma.local @!p0 [hbm:s6], $0xF7A  }
0x23: {  	s9 =	sor.u32 $0xD0000000, s2;
	s6 =	simm.s32 $0x108;
	_ =	swait.ge @!p0 [sflag:s8], $0x0  }
0x24: {  	s3 =	sadd.s32 $0x88, s3;
	s6 =	simm.s32 @!p1 $0x1082;
	[sflag:s4] =	ssyncset.s32 $0xFFFFF086  }
0x25: {  	[simem:s6], [sflag:s4] =	dma.local [hbm:s3], $0xF7A  }
0x26: {  	[smem:$0x3F9F] =	sst s1;
	(tag) =	ssettag s2;
	_ =	strace s9  }
0x27: {  	s1 =	sld [smem:$0x3FAF]  }
0x28: {  	s2 =	sld [smem:$0x3FB0]  }
0x29: {  	s4 =	sld [smem:$0x3FB2]  }
0x2a: {  	p0 =	seq.s32 s5, $0x0;
	s5 =	sld [smem:$0x3FB3]  }
0x2b: {  	s6 =	sld [smem:$0x3FB4]  }
0x2c: {  	s7 =	sld [smem:$0x3FB5]  }
0x2d: {  	s3 =	simm.s32 $0x108;
	s8 =	sld [smem:$0x3FB6]  }
0x2e: {  	s3 =	simm.s32 @!p0 $0x1082;
	s9 =	sld [smem:$0x3FB7]  }
0x2f: {  	lr =	sadd.s32 s0, s3;
	s0 =	sld [smem:$0x3FAE]  }
0x30: {  	s3 =	sld [smem:$0x3FB1]  }
0x31: {  	[smem:$0x3FBA] =	sst s10  }
0x32: {  	s10 =	sld [smem:$0x3FB8];
	_ =	sdelay $0x3  }
0x33: {  	p0 =	seq.s32 s10, $0x1;
	s10 =	sld [smem:$0x3FBA];
	_ =	sdelay $0x3  }
0x34: {  	[smem:$0x3FBA] =	sst s10  }
0x35: {  	s10 =	sld [smem:$0x3FB9];
	_ =	sdelay $0x3  }
0x36: {  	p1 =	seq.s32 s10, $0x1;
	s10 =	sld [smem:$0x3FBA];
	_ =	sdelay $0x3  }
0x37: {  	[smem:$0x3FBA] =	sst s10  }
0x38: {  	s10 =	sld [smem:$0x3FBB]  }
0x39: {  	_ = 	snop;
	(pc) =	sbr.ind lr, $3  }
0x3a: {  	_ = 	snop  }
0x3b: {  	_ = 	snop  }
0x3c: {  	p2 =	seq.s32 s10, $0x1;
	s10 =	sld [smem:$0x3FBA]  }
0x3d: {  	_ =	shalt  }
0x3e: {  	_ =	shalt  }
0x3f: {  	_ =	shalt  }
0x40: {  	_ =	shalt  }
0x41: {  	_ =	shalt  }
0x42: {  	_ =	shalt  }
0x43: {  	_ =	shalt  }
0x44: {  	_ =	shalt  }
0x45: {  	_ =	shalt  }
0x46: {  	_ =	shalt  }
0x47: {  	_ =	shalt  }
0x48: {  	_ =	shalt  }
0x49: {  	_ =	shalt  }
0x4a: {  	_ =	shalt  }
0x4b: {  	_ =	shalt  }
0x4c: {  	_ =	shalt  }
0x4d: {  	_ =	shalt  }
0x4e: {  	_ =	shalt  }
0x4f: {  	_ =	shalt  }
0x50: {  	_ =	shalt  }
0x51: {  	_ =	shalt  }
0x52: {  	_ =	shalt  }
0x53: {  	_ =	shalt  }
0x54: {  	_ =	shalt  }
0x55: {  	_ =	shalt  }
0x56: {  	_ =	shalt  }
0x57: {  	_ =	shalt  }
0x58: {  	_ =	shalt  }
0x59: {  	_ =	shalt  }
0x5a: {  	_ =	shalt  }
0x5b: {  	_ =	shalt  }
0x5c: {  	_ =	shalt  }
0x5d: {  	_ =	shalt  }
0x5e: {  	_ =	shalt  }
0x5f: {  	_ =	shalt  }
0x60: {  	_ =	shalt  }
0x61: {  	_ =	shalt  }
0x62: {  	_ =	shalt  }
0x63: {  	_ =	shalt  }
0x64: {  	_ =	shalt  }
0x65: {  	_ =	shalt  }
0x66: {  	_ =	shalt  }
0x67: {  	_ =	shalt  }
0x68: {  	_ =	shalt  }
0x69: {  	_ =	shalt  }
0x6a: {  	_ =	shalt  }
0x6b: {  	_ =	shalt  }
0x6c: {  	_ =	shalt  }
0x6d: {  	_ =	shalt  }
0x6e: {  	_ =	shalt  }
0x6f: {  	_ =	shalt  }
0x70: {  	_ =	shalt  }
0x71: {  	_ =	shalt  }
0x72: {  	_ =	shalt  }
0x73: {  	_ =	shalt  }
0x74: {  	_ =	shalt  }
0x75: {  	_ =	shalt  }
0x76: {  	_ =	shalt  }
0x77: {  	_ =	shalt  }
0x78: {  	_ =	shalt  }
0x79: {  	_ =	shalt  }
0x7a: {  	_ =	shalt  }
0x7b: {  	_ =	shalt  }
0x7c: {  	_ =	shalt  }
0x7d: {  	_ =	shalt  }
0x7e: {  	_ =	shalt  }
0x7f: {  	_ =	shalt  }
0x80: {  	_ =	shalt  }
0x81: {  	_ =	shalt  }
0x82: {  	_ =	shalt  }
0x83: {  	_ =	shalt  }
0x84: {  	_ =	shalt  }
0x85: {  	_ =	shalt  }
0x86: {  	_ =	shalt  }
0x87: {  	_ =	shalt  }
.Lfunc_end0:
.L_simem_size_0:
called_computation_lowered:
.L_overlay_start_0:
0x88: {  	s2 =	sld [smem:$0x3FD9]  }
0x89: {  	s3 =	sld [smem:$0x3FFE];
	_ =	sdelay $0x1  }
0x8a: {  	s1 =	srdreg.scid  }
0x8b: {  	s0 =	sand.u32 $0x1, s1  }
0x8c: {  	s17 =	sshll.u32 s0, $0xA;
	s2 =	sadd.s32 s3, s2  }
0x8d: {  	s2 =	sadd.s32 s2, s17  }
0x8e: {  	[smem:$0x3FC6] =	sst s2  }
0x8f: {  	_ = 	snop  }
0x90: {  	s2 =	sld [smem:$0x3FC8]  }
0x91: {  	s18 =	sld [smem:$0x3FD0];
	(tm) =	ssettm $0x1  }
0x92: {  	s4 =	sld [smem:$0x3FFB];
	_ =	sdelay $0x3  }
0x93: {  	_ =	strace s4  }
0x94: {  	s4 =	sld [smem:$0x3FFC];
	_ =	sdelay $0x3  }
0x95: {  	_ =	strace s4  }
0x96: {  	s4 =	sld [smem:$0x3FFD];
	_ =	sdelay $0x3  }
0x97: {  	_ =	strace s4  }
0x98: {  	_ =	strace $0x8FFFFFFF  }
0x99: {  	s19 =	sld [smem:$0x3FDB];
	_ =	sdelay $0x1  }
0x9a: {  	s5 =	simm.s32 $_scs_section_size  }
0x9b: {  	s6 =	simm.s32 $_size__tile_overlayer_lowered;
	s7 =	simm.s32 $_tile_overlayer_lowered  }
0x9c: {  	s22 =	simm.s32 $0x1BFF;
	s21 =	sshll.u32 s7, $0x1;
	s4 =	sadd.s32 s5, s19  }
0x9d: {  	s8 =	simm.s32 $0x0;
	s20 =	sshll.u32 s6, $0x1;
	s6 =	sadd.s32 s21, s4  }
0x9e: {  	[timem:s8], [sflag:s22] =	dma.local [hbm:s6], s20  }
0x9f: {  	_ =	swait.ge [sflag:s22], s20  }
0xa0: {  	s5 =	ssub.s32 $0x0, s20;
	[sflag:s22] =	ssyncset.done $0x0  }
0xa1: {  	[sflag:s22] =	ssyncadd.s32 s5;
	_ =	sdelay $0x1  }
0xa2: {  	s23 =	simm.s32 $0x1B8B  }
0xa3: {  	_ =	swait.ge [sflag:s23], $0x1  }
0xa4: {  	[sflag:s23] =	ssyncset.done $0x0  }
0xa5: {  	s25 =	simm.s32 $0x1B8E;
	s24 =	sld [smem:$0x3FFE];
	[sflag:s23] =	ssyncadd.s32 $0xFFFFFFFF  }
0xa6: {  	s26 =	simm.s32 $execute0_lowered;
	[smem:$0x3FD2] =	sst s25  }
0xa7: {  	s6 =	sshll.u32 s26, $0x1;
	_ =	strace $0x80000046;
	[dreg:$0x1] =	wrdreg $0xFFFFFFFF  }
0xa8: {  	s28 =	simm.s32 $_size_execute0_lowered;
	s4 =	sadd.s32 s4, s6;
	[dreg:$0x0] =	wrdreg $0x0  }
0xa9: {  	s6 =	sshll.u32 s28, $0x1;
	[dreg:$0x2] =	wrdreg s4  }
0xaa: {  	[dreg:$0x3] =	wrdreg s6  }
0xab: {  	[dreg:$0x4] =	wrdreg $0xC0  }
0xac: {  	_ =	task [dreg:s8], $0x5FFFF  }
0xad: {  	[dreg:$0x1] =	wrdreg $0xFFFFFFFF  }
0xae: {  	[dreg:$0x0] =	wrdreg $0x60  }
0xaf: {  	[dreg:$0x2] =	wrdreg s24  }
0xb0: {  	[dreg:$0x3] =	wrdreg s2  }
0xb1: {  	[dreg:$0x4] =	wrdreg s18  }
0xb2: {  	[dreg:$0x5] =	wrdreg $0x9  }
0xb3: {  	_ =	task.clear_ibuf [dreg:s8], $0x6FFFF;
	_ =	strace $0x90000046  }
0xb4: {  	s29 =	simm.s32 $0x9;
	_ =	strace $0x80000048  }
0xb5: {  	_ =	swait.ge [sflag:s29], $0x1  }
0xb6: {  	[sflag:s29] =	ssyncadd.s32 $0xFFFFFFFF  }
0xb7: {  	_ =	strace $0x90000048  }
0xb8: {  	_ =	sfence  }
0xb9: {  	s30 =	sld [smem:$0x0];
	_ =	sdelay $0x2  }
0xba: {  	s31 =	sshll.u32 s1, $0xD;
	s1 =	sshrl.u32 s1, $0x2  }
0xbb: {  	s3 =	sand.u32 $0x4000, s31;
	s1 =	sadd.s32 s1, s30  }
0xbc: {  	s0 =	sor.u32 s3, s0;
	s1 =	sshll.u32 s1, $0x11  }
0xbd: {  	s0 =	sor.u32 s1, s0  }
0xbe: {  	s0 =	sadd.s32 $0x8F2B, s0  }
0xbf: {  	[sflag:s0] =	ssyncadd.remote.s32 $0x1  }
0xc0: {  	_ =	sfence.sel $0xFFFF  }
0xc1: {  	[dreg:$0x0] =	wrdreg $0xFFFFFFFF;
	(pc) =	sbr.abs _section_cstart, $3  }
0xc2: {  	[dreg:$0x1] =	wrdreg $0xFFFFFFFF  }
0xc3: {  	_ =	task.clear_ibuf [dreg:s8], $0x2FFFF;
	_ =	strace $0x9FFFFFFF  }
0xc4: {  	(tm) =	ssettm $0x7FFFFFFF  }
0xc5: {  	_ =	shalt  }
tec
execute0_lowered:
.L_overlay_start_1:
0x0: {  	(tag) =	ssettag $0x1  }
0x1: {  	s0 =	rddreg [dreg:$0x0]  }
0x2: {  	s2 =	rddreg [dreg:$0x1];
	s1 =	srdreg.scid  }
0x3: {  	s4 =	rddreg [dreg:$0x2];
	s10 =	stileid.u32;
	s3 =	simm.s32 $0x0  }
0x4: {  	s25 =	simm.s32 $0x10400;
	s26 =	simm.s32 $0x10C00;
	s12 =	simm.s32 $0x3  }
0x5: {  	s11 =	simm.s32 $0x12C00;
	s13 =	simm.s32 $0x400;
	[smem:$0x7FF] =	sst s3  }
0x6: {  	s14 =	simm.s32 $0x13400;
	_ =	strace $0x80000047;
	[dreg:$0x5] =	wrdreg s25  }
0x7: {  	s15 =	simm.s32 $0x13C00;
	s16 =	simm.s32 $0x14400;
	[dreg:$0x6] =	wrdreg s26  }
0x8: {  	s17 =	simm.s32 $0x14C00;
	s28 =	simm.s32 $0x2400;
	[dreg:$0xa] =	wrdreg s11  }
0x9: {  	s18 =	simm.s32 $0x15400;
	s29 =	simm.s32 $0x2C00;
	[dreg:$0xb] =	wrdreg s14  }
0xa: {  	s19 =	simm.s32 $0x15C00;
	s30 =	simm.s32 $0x3400;
	[dreg:$0xc] =	wrdreg s15  }
0xb: {  	s20 =	simm.s32 $0x16400;
	s31 =	simm.s32 $0xA400;
	[dreg:$0xd] =	wrdreg s16  }
0xc: {  	s1 =	sand.u32 $0x1, s1;
	s6 =	sshll.u32 s10, $0xA;
	[dreg:$0xe] =	wrdreg s17  }
0xd: {  	s10 =	sshll.u32 s10, $0x11;
	s5 =	sshll.u32 s1, $0xE;
	[dreg:$0xf] =	wrdreg s18  }
0xe: {  	s21 =	ssub.s32 $0x2, s1;
	s1 =	sshll.u32 s1, $0x15;
	[dreg:$0x10] =	wrdreg s19  }
0xf: {  	s26 =	simm.s32 $0xC00;
	s25 =	simm.s32 $0x1C00;
	[dreg:$0x11] =	wrdreg s20  }
0x10: {  	s14 =	simm.s32 $0x6C00;
	s15 =	simm.s32 $0x7400;
	s16 =	simm.s32 $0x7C00  }
0x11: {  	s17 =	simm.s32 $0x8400;
	s18 =	simm.s32 $0x8C00;
	s19 =	simm.s32 $0x9400  }
0x12: {  	s20 =	simm.s32 $0x9C00;
	s11 =	simm.s32 $0xC400;
	s8 =	sor.u32 s6, s5  }
0x13: {  	s7 =	sshrl.u32 s21, $0x1;
	s5 =	sadd.s32 $0x100, s2;
	s1 =	sadd.s32 s1, s4  }
0x14: {  	s6 =	sshrl.u32 s8, $0x3;
	s9 =	ssub.s32 s21, s7;
	s23 =	sadd.s32 s10, s1  }
0x15: {  	s24 =	sshll.u32 s8, $0x7;
	s8 =	simm.s32 $0x11C00;
	[dreg:$0x4] =	wrdreg s23  }
0x16: {  	s7 =	sadd.s32 $0x300, s2;
	s10 =	simm.s32 $0x12400;
	[dreg:$0x8] =	wrdreg s8  }
0x17: {  	s21 =	simm.s32 $0x16C00;
	s0 =	sadd.s32 s6, s0;
	[dreg:$0x9] =	wrdreg s10  }
0x18: {  	s6 =	sadd.s32 $0x200, s2;
	s9 =	smax.u32 s9, $0x1;
	[dreg:$0x12] =	wrdreg s21  }
0x19: {  	s1 =	sadd.s32 s24, s4;
	s23 =	simm.s32 $0x17C00;
	[dreg:$0x19] =	wrdreg s9  }
0x1a: {  	s24 =	simm.s32 $0x1400;
	s22 =	sadd.s32 $0x400, s0;
	[dreg:$0x14] =	wrdreg s23  }
0x1b: {  	s8 =	simm.s32 $0x4C00;
	s0 =	sadd.s32 $0x410, s0;
	[dreg:$0x15] =	wrdreg s22  }
0x1c: {  	s10 =	simm.s32 $0x5C00;
	s4 =	sadd.s32 $0x1E000, s1;
	[dreg:$0x16] =	wrdreg s0  }
0x1d: {  	s21 =	simm.s32 $0x1;
	s1 =	sadd.s32 $0x1F800, s1;
	[dreg:$0x17] =	wrdreg s4  }
0x1e: {  	s9 =	simm.s32 $0x5400;
	s23 =	simm.s32 $0x0;
	[dreg:$0x18] =	wrdreg s1  }
0x1f: {  	v2 =	vlaneseq.u32;
	s4 =	simm.s32 $0x11400;
	s1 =	simm.s32 $0x3C00;
	[dreg:$0x1a] =	wrdreg s23  }
0x20: {  	vm0 =	vmmov $0xffff;
	v1 =	vshrl.u32 v2, $0x3;
	s22 =	simm.s32 $0x17400;
	s0 =	simm.s32 $0x6400;
	[dreg:$0x7] =	wrdreg s4  }
0x21: {  	v0 =	vand.u32 $0x7, v2;
	v2 =	vor.u32 $0x8, v2;
	v1 =	vmul.u32 $0x8, v1;
	s4 =	simm.s32 $0x4400;
	[dreg:$0x13] =	wrdreg s22;
	s22 =	simm.s32 $0x2  }
.LBB2_1:
0x22: {  	s23 =	rddreg [dreg:$0x15]  }
0x23: {  	[tilespmem:s3], [sflag:$0x3] =	stream.linear.gather [hbm4b:s23+s3], $0x80, $0x38;
	[tilespmem:$0x18400] =	vst v63  }
0x24: {  	_ =	swait.ge [sflag:s12], $0x80  }
0x25: {  	[sflag:s12] =	ssyncset.done $0x0  }
0x26: {  	[sflag:s12] =	ssyncadd.s32 $0xFFFFFF80  }
0x27: {  	v3 =	vld [tilespmem:$0x0];
	_ =	sdelay $0x4  }
0x28: {  	v4 =	vshll.u32 v3, $0x3  }
0x29: {  	v3 =	vand.u32 $0x7, v3;
	v4 =	vand.u32 $0xFFFFFFC0, v4  }
0x2a: {  	v3 =	vor.u32 v3, v4  }
0x2b: {  	v4 =	vperm.xlane v3, v0;
	_ =	sdelay $0x1  }
0x2c: {  	v4 =	vadd.s32 v1, v4;
	_ =	sdelay $0x4  }
0x2d: {  	[tilespmem:s13], [sflag:$0x1] =	stream.indirect_vreg.gather [hbm4b:s2+s3], $0x80, v4, vm0, $0xb8;
	[tilespmem:$0x18400] =	vst v63  }
0x2e: {  	v3 =	vperm.xlane v3, v2  }
0x2f: {  	[tilespmem:s26], [sflag:$0x1] =	stream.indirect_vreg.gather [hbm4b:s5+s3], $0x80, v4, vm0, $0xb8;
	[tilespmem:$0x18400] =	vst v63  }
0x30: {  	v3 =	vadd.s32 v1, v3  }
0x31: {  	[tilespmem:s24], [sflag:$0x1] =	stream.indirect_vreg.gather [hbm4b:s6+s3], $0x80, v4, vm0, $0xb8;
	[tilespmem:$0x18400] =	vst v63  }
0x32: {  	_ = 	snop  }
0x33: {  	[tilespmem:s25], [sflag:$0x1] =	stream.indirect_vreg.gather [hbm4b:s7+s3], $0x80, v4, vm0, $0xb8;
	[tilespmem:$0x18400] =	vst v63  }
0x34: {  	_ = 	snop  }
0x35: {  	[tilespmem:s28], [sflag:$0x1] =	stream.indirect_vreg.gather [hbm4b:s2+s3], $0x80, v3, vm0, $0xb8;
	[tilespmem:$0x18400] =	vst v63  }
0x36: {  	_ = 	snop  }
0x37: {  	[tilespmem:s29], [sflag:$0x1] =	stream.indirect_vreg.gather [hbm4b:s5+s3], $0x80, v3, vm0, $0xb8;
	[tilespmem:$0x18400] =	vst v63  }
0x38: {  	_ = 	snop  }
0x39: {  	[tilespmem:s30], [sflag:$0x1] =	stream.indirect_vreg.gather [hbm4b:s6+s3], $0x80, v3, vm0, $0xb8;
	[tilespmem:$0x18400] =	vst v63  }
0x3a: {  	_ = 	snop  }
0x3b: {  	[tilespmem:s1], [sflag:$0x1] =	stream.indirect_vreg.gather [hbm4b:s7+s3], $0x80, v3, vm0, $0xb8;
	[tilespmem:$0x18400] =	vst v63  }
0x3c: {  	v3 =	vld [tilespmem:$0x10];
	_ =	sdelay $0x4  }
0x3d: {  	v62 =	vshll.u32 v3, $0x3  }
0x3e: {  	v3 =	vand.u32 $0x7, v3;
	v4 =	vand.u32 $0xFFFFFFC0, v62  }
0x3f: {  	v3 =	vor.u32 v3, v4  }
0x40: {  	v4 =	vperm.xlane v3, v0;
	_ =	sdelay $0x1  }
0x41: {  	v4 =	vadd.s32 v1, v4;
	_ =	sdelay $0x4  }
0x42: {  	[tilespmem:s4], [sflag:$0x1] =	stream.indirect_vreg.gather [hbm4b:s2+s3], $0x80, v4, vm0, $0xb8;
	[tilespmem:$0x18400] =	vst v63  }
0x43: {  	v3 =	vperm.xlane v3, v2  }
0x44: {  	[tilespmem:s8], [sflag:$0x1] =	stream.indirect_vreg.gather [hbm4b:s5+s3], $0x80, v4, vm0, $0xb8;
	[tilespmem:$0x18400] =	vst v63  }
0x45: {  	v3 =	vadd.s32 v1, v3  }
0x46: {  	[tilespmem:s9], [sflag:$0x1] =	stream.indirect_vreg.gather [hbm4b:s6+s3], $0x80, v4, vm0, $0xb8;
	[tilespmem:$0x18400] =	vst v63  }
0x47: {  	_ = 	snop  }
0x48: {  	[tilespmem:s10], [sflag:$0x1] =	stream.indirect_vreg.gather [hbm4b:s7+s3], $0x80, v4, vm0, $0xb8;
	[tilespmem:$0x18400] =	vst v63  }
0x49: {  	_ = 	snop  }
0x4a: {  	[tilespmem:s0], [sflag:$0x1] =	stream.indirect_vreg.gather [hbm4b:s2+s3], $0x80, v3, vm0, $0xb8;
	[tilespmem:$0x18400] =	vst v63  }
0x4b: {  	_ = 	snop  }
0x4c: {  	[tilespmem:s14], [sflag:$0x1] =	stream.indirect_vreg.gather [hbm4b:s5+s3], $0x80, v3, vm0, $0xb8;
	[tilespmem:$0x18400] =	vst v63  }
0x4d: {  	_ = 	snop  }
0x4e: {  	[tilespmem:s15], [sflag:$0x1] =	stream.indirect_vreg.gather [hbm4b:s6+s3], $0x80, v3, vm0, $0xb8;
	[tilespmem:$0x18400] =	vst v63  }
0x4f: {  	_ = 	snop  }
0x50: {  	[tilespmem:s16], [sflag:$0x1] =	stream.indirect_vreg.gather [hbm4b:s7+s3], $0x80, v3, vm0, $0xb8;
	[tilespmem:$0x18400] =	vst v63  }
0x51: {  	v3 =	vld [tilespmem:$0x20];
	_ =	sdelay $0x4  }
0x52: {  	v63 =	vshll.u32 v3, $0x3  }
0x53: {  	v3 =	vand.u32 $0x7, v3;
	v4 =	vand.u32 $0xFFFFFFC0, v63  }
0x54: {  	v3 =	vor.u32 v3, v4  }
0x55: {  	v4 =	vperm.xlane v3, v0;
	_ =	sdelay $0x1  }
0x56: {  	v4 =	vadd.s32 v1, v4;
	_ =	sdelay $0x4  }
0x57: {  	[tilespmem:s17], [sflag:$0x1] =	stream.indirect_vreg.gather [hbm4b:s2+s3], $0x80, v4, vm0, $0xb8;
	[tilespmem:$0x18400] =	vst v63  }
0x58: {  	v3 =	vperm.xlane v3, v2  }
0x59: {  	[tilespmem:s18], [sflag:$0x1] =	stream.indirect_vreg.gather [hbm4b:s5+s3], $0x80, v4, vm0, $0xb8;
	[tilespmem:$0x18400] =	vst v63  }
0x5a: {  	v3 =	vadd.s32 v1, v3  }
0x5b: {  	[tilespmem:s19], [sflag:$0x1] =	stream.indirect_vreg.gather [hbm4b:s6+s3], $0x80, v4, vm0, $0xb8;
	[tilespmem:$0x18400] =	vst v63  }
0x5c: {  	s23 =	simm.s32 $0xB400;
	s26 =	simm.s32 $0x80  }
0x5d: {  	[tilespmem:s20], [sflag:$0x1] =	stream.indirect_vreg.gather [hbm4b:s7+s3], $0x80, v4, vm0, $0xb8;
	[tilespmem:$0x18400] =	vst v63  }
0x5e: {  	s24 =	simm.s32 $0xBC00;
	s25 =	rddreg [dreg:$0x16];
	s28 =	simm.s32 $0x1400  }
0x5f: {  	[tilespmem:s31], [sflag:$0x1] =	stream.indirect_vreg.gather [hbm4b:s2+s3], $0x80, v3, vm0, $0xb8;
	[tilespmem:$0x18400] =	vst v63  }
0x60: {  	s29 =	simm.s32 $0x1C00;
	s30 =	simm.s32 $0xDC00;
	s20 =	simm.s32 $0xAC00  }
0x61: {  	[tilespmem:s20], [sflag:$0x1] =	stream.indirect_vreg.gather [hbm4b:s5+s3], $0x80, v3, vm0, $0xb8;
	[tilespmem:$0x18400] =	vst v63  }
0x62: {  	s1 =	simm.s32 $0x3C00;
	s4 =	simm.s32 $0x4400;
	s8 =	simm.s32 $0x4C00  }
0x63: {  	[tilespmem:s23], [sflag:$0x1] =	stream.indirect_vreg.gather [hbm4b:s6+s3], $0x80, v3, vm0, $0xb8;
	[tilespmem:$0x18400] =	vst v63  }
0x64: {  	s9 =	simm.s32 $0x5400;
	s10 =	simm.s32 $0x5C00;
	s0 =	simm.s32 $0xE400  }
0x65: {  	[tilespmem:s24], [sflag:$0x1] =	stream.indirect_vreg.gather [hbm4b:s7+s3], $0x80, v3, vm0, $0xb8;
	[tilespmem:$0x18400] =	vst v63  }
0x66: {  	s14 =	simm.s32 $0xEC00;
	s15 =	simm.s32 $0xF400;
	s16 =	simm.s32 $0xA400  }
0x67: {  	[tilespmem:s26], [sflag:$0x3] =	stream.linear.gather [hbm4b:s25+s3], $0x380, $0x38;
	[tilespmem:$0x18400] =	vst v63  }
0x68: {  	s18 =	simm.s32 $0xCC00;
	s19 =	simm.s32 $0x8C00;
	_ =	swait.ge [sflag:s12], $0x380  }
0x69: {  	s31 =	simm.s32 $0x2C00;
	s20 =	simm.s32 $0xD400;
	[sflag:s12] =	ssyncset.done $0x0  }
0x6a: {  	s23 =	simm.s32 $0x40;
	s24 =	simm.s32 $0x0;
	[sflag:s12] =	ssyncadd.s32 $0xFFFFFC80  }
.LBB2_2:
0x6b: {  	v3 =	vld [tilespmem:s23+$0xFFFFFFF0];
	_ =	sdelay $0x4  }
0x6c: {  	v4 =	vshll.u32 v3, $0x3  }
0x6d: {  	v3 =	vand.u32 $0x7, v3;
	v4 =	vand.u32 $0xFFFFFFC0, v4  }
0x6e: {  	v3 =	vor.u32 v3, v4  }
0x6f: {  	v4 =	vperm.xlane v3, v0;
	_ =	sdelay $0x1  }
0x70: {  	v4 =	vadd.s32 v1, v4;
	_ =	sdelay $0x4  }
0x71: {  	[tilespmem:s11], [sflag:$0x2] =	stream.indirect_vreg.gather [hbm4b:s2+s3], $0x80, v4, vm0, $0xb8;
	[tilespmem:$0x18400] =	vst v63  }
0x72: {  	v3 =	vperm.xlane v3, v2  }
0x73: {  	[tilespmem:s18], [sflag:$0x2] =	stream.indirect_vreg.gather [hbm4b:s5+s3], $0x80, v4, vm0, $0xb8;
	[tilespmem:$0x18400] =	vst v63  }
0x74: {  	v3 =	vadd.s32 v1, v3  }
0x75: {  	[tilespmem:s20], [sflag:$0x2] =	stream.indirect_vreg.gather [hbm4b:s6+s3], $0x80, v4, vm0, $0xb8;
	[tilespmem:$0x18400] =	vst v63  }
0x76: {  	_ = 	snop  }
0x77: {  	[tilespmem:s30], [sflag:$0x2] =	stream.indirect_vreg.gather [hbm4b:s7+s3], $0x80, v4, vm0, $0xb8;
	[tilespmem:$0x18400] =	vst v63  }
0x78: {  	_ = 	snop  }
0x79: {  	[tilespmem:s0], [sflag:$0x2] =	stream.indirect_vreg.gather [hbm4b:s2+s3], $0x80, v3, vm0, $0xb8;
	[tilespmem:$0x18400] =	vst v63  }
0x7a: {  	_ = 	snop  }
0x7b: {  	[tilespmem:s14], [sflag:$0x2] =	stream.indirect_vreg.gather [hbm4b:s5+s3], $0x80, v3, vm0, $0xb8;
	[tilespmem:$0x18400] =	vst v63  }
0x7c: {  	_ = 	snop  }
0x7d: {  	[tilespmem:s15], [sflag:$0x2] =	stream.indirect_vreg.gather [hbm4b:s6+s3], $0x80, v3, vm0, $0xb8;
	[tilespmem:$0x18400] =	vst v63  }
0x7e: {  	s17 =	simm.s32 $0xFC00  }
0x7f: {  	[tilespmem:s17], [sflag:$0x2] =	stream.indirect_vreg.gather [hbm4b:s7+s3], $0x80, v3, vm0, $0xb8;
	[tilespmem:$0x18400] =	vst v63  }
0x80: {  	v3 =	vld [tilespmem:s23+$0x0];
	_ =	sdelay $0x4  }
0x81: {  	v59 =	vshll.u32 v3, $0x3  }
0x82: {  	v3 =	vand.u32 $0x7, v3;
	v4 =	vand.u32 $0xFFFFFFC0, v59  }
0x83: {  	v3 =	vor.u32 v3, v4  }
0x84: {  	v4 =	vperm.xlane v3, v0;
	_ =	sdelay $0x1  }
0x85: {  	v4 =	vadd.s32 v1, v4;
	_ =	sdelay $0x3  }
0x86: {  	s25 =	rddreg [dreg:$0x5]  }
0x87: {  	[tilespmem:s25], [sflag:$0x2] =	stream.indirect_vreg.gather [hbm4b:s2+s3], $0x80, v4, vm0, $0xb8;
	[tilespmem:$0x18400] =	vst v63  }
0x88: {  	s26 =	rddreg [dreg:$0x6];
	v3 =	vperm.xlane v3, v2  }
0x89: {  	[tilespmem:s26], [sflag:$0x2] =	stream.indirect_vreg.gather [hbm4b:s5+s3], $0x80, v4, vm0, $0xb8;
	[tilespmem:$0x18400] =	vst v63  }
0x8a: {  	v3 =	vadd.s32 v1, v3;
	s25 =	rddreg [dreg:$0x7]  }
0x8b: {  	[tilespmem:s25], [sflag:$0x2] =	stream.indirect_vreg.gather [hbm4b:s6+s3], $0x80, v4, vm0, $0xb8;
	[tilespmem:$0x18400] =	vst v63  }
0x8c: {  	s17 =	rddreg [dreg:$0x8]  }
0x8d: {  	[tilespmem:s17], [sflag:$0x2] =	stream.indirect_vreg.gather [hbm4b:s7+s3], $0x80, v4, vm0, $0xb8;
	[tilespmem:$0x18400] =	vst v63  }
0x8e: {  	s25 =	rddreg [dreg:$0x9]  }
0x8f: {  	[tilespmem:s25], [sflag:$0x2] =	stream.indirect_vreg.gather [hbm4b:s2+s3], $0x80, v3, vm0, $0xb8;
	[tilespmem:$0x18400] =	vst v63  }
0x90: {  	s17 =	rddreg [dreg:$0xa]  }
0x91: {  	[tilespmem:s17], [sflag:$0x2] =	stream.indirect_vreg.gather [hbm4b:s5+s3], $0x80, v3, vm0, $0xb8;
	[tilespmem:$0x18400] =	vst v63  }
0x92: {  	s25 =	rddreg [dreg:$0xb]  }
0x93: {  	[tilespmem:s25], [sflag:$0x2] =	stream.indirect_vreg.gather [hbm4b:s6+s3], $0x80, v3, vm0, $0xb8;
	[tilespmem:$0x18400] =	vst v63  }
0x94: {  	s17 =	rddreg [dreg:$0xc]  }
0x95: {  	[tilespmem:s17], [sflag:$0x2] =	stream.indirect_vreg.gather [hbm4b:s7+s3], $0x80, v3, vm0, $0xb8;
	[tilespmem:$0x18400] =	vst v63  }
0x96: {  	v3 =	vld [tilespmem:s23+$0x10];
	_ =	sdelay $0x4  }
0x97: {  	v60 =	vshll.u32 v3, $0x3  }
0x98: {  	v3 =	vand.u32 $0x7, v3;
	v4 =	vand.u32 $0xFFFFFFC0, v60  }
0x99: {  	v3 =	vor.u32 v3, v4  }
0x9a: {  	v4 =	vperm.xlane v3, v0;
	_ =	sdelay $0x1  }
0x9b: {  	v4 =	vadd.s32 v1, v4;
	_ =	sdelay $0x3  }
0x9c: {  	s26 =	rddreg [dreg:$0xd]  }
0x9d: {  	[tilespmem:s26], [sflag:$0x2] =	stream.indirect_vreg.gather [hbm4b:s2+s3], $0x80, v4, vm0, $0xb8;
	[tilespmem:$0x18400] =	vst v63  }
0x9e: {  	s17 =	rddreg [dreg:$0xe];
	v3 =	vperm.xlane v3, v2  }
0x9f: {  	[tilespmem:s17], [sflag:$0x2] =	stream.indirect_vreg.gather [hbm4b:s5+s3], $0x80, v4, vm0, $0xb8;
	[tilespmem:$0x18400] =	vst v63  }
0xa0: {  	s25 =	rddreg [dreg:$0xf];
	v3 =	vadd.s32 v1, v3  }
0xa1: {  	[tilespmem:s25], [sflag:$0x2] =	stream.indirect_vreg.gather [hbm4b:s6+s3], $0x80, v4, vm0, $0xb8;
	[tilespmem:$0x18400] =	vst v63  }
0xa2: {  	s17 =	rddreg [dreg:$0x10]  }
0xa3: {  	[tilespmem:s17], [sflag:$0x2] =	stream.indirect_vreg.gather [hbm4b:s7+s3], $0x80, v4, vm0, $0xb8;
	[tilespmem:$0x18400] =	vst v63  }
0xa4: {  	s25 =	rddreg [dreg:$0x11]  }
0xa5: {  	[tilespmem:s25], [sflag:$0x2] =	stream.indirect_vreg.gather [hbm4b:s2+s3], $0x80, v3, vm0, $0xb8;
	[tilespmem:$0x18400] =	vst v63  }
0xa6: {  	s17 =	rddreg [dreg:$0x12]  }
0xa7: {  	[tilespmem:s17], [sflag:$0x2] =	stream.indirect_vreg.gather [hbm4b:s5+s3], $0x80, v3, vm0, $0xb8;
	[tilespmem:$0x18400] =	vst v63  }
0xa8: {  	s25 =	rddreg [dreg:$0x13]  }
0xa9: {  	[tilespmem:s25], [sflag:$0x2] =	stream.indirect_vreg.gather [hbm4b:s6+s3], $0x80, v3, vm0, $0xb8;
	[tilespmem:$0x18400] =	vst v63  }
0xaa: {  	s17 =	rddreg [dreg:$0x14]  }
0xab: {  	[tilespmem:s17], [sflag:$0x2] =	stream.indirect_vreg.gather [hbm4b:s7+s3], $0x80, v3, vm0, $0xb8;
	[tilespmem:$0x18400] =	vst v63  }
0xac: {  	_ =	swait.ge [sflag:s21], $0xC000  }
0xad: {  	s17 =	rddreg [dreg:$0x4];
	[sflag:s21] =	ssyncset.done $0x0  }
0xae: {  	[sflag:s21] =	ssyncadd.s32 $0xFFFF4000;
	s25 =	sadd.s32 s24, s17  }
0xaf: {  	[hbm4b:s25+s3] =	stream.linear.scatter [tilespmem:s13], [sflag:$0x3], $0xC000, $0x38;
	[tilespmem:$0x18400] =	vst v63  }
0xb0: {  	_ =	swait.ge [sflag:s12], $0xC000  }
0xb1: {  	[sflag:s12] =	ssyncset.done $0x0  }
0xb2: {  	[sflag:s12] =	ssyncadd.s32 $0xFFFF4000  }
0xb3: {  	v3 =	vld [tilespmem:s23+$0x20];
	_ =	sdelay $0x4  }
0xb4: {  	v61 =	vshll.u32 v3, $0x3  }
0xb5: {  	v3 =	vand.u32 $0x7, v3;
	v4 =	vand.u32 $0xFFFFFFC0, v61  }
0xb6: {  	v3 =	vor.u32 v3, v4  }
0xb7: {  	v4 =	vperm.xlane v3, v0;
	_ =	sdelay $0x1  }
0xb8: {  	v4 =	vadd.s32 v1, v4;
	_ =	sdelay $0x4  }
0xb9: {  	[tilespmem:s13], [sflag:$0x1] =	stream.indirect_vreg.gather [hbm4b:s2+s3], $0x80, v4, vm0, $0xb8;
	[tilespmem:$0x18400] =	vst v63  }
0xba: {  	s26 =	simm.s32 $0xC00;
	v3 =	vperm.xlane v3, v2  }
0xbb: {  	[tilespmem:s26], [sflag:$0x1] =	stream.indirect_vreg.gather [hbm4b:s5+s3], $0x80, v4, vm0, $0xb8;
	[tilespmem:$0x18400] =	vst v63  }
0xbc: {  	v3 =	vadd.s32 v1, v3  }
0xbd: {  	[tilespmem:s28], [sflag:$0x1] =	stream.indirect_vreg.gather [hbm4b:s6+s3], $0x80, v4, vm0, $0xb8;
	[tilespmem:$0x18400] =	vst v63  }
0xbe: {  	_ = 	snop  }
0xbf: {  	[tilespmem:s29], [sflag:$0x1] =	stream.indirect_vreg.gather [hbm4b:s7+s3], $0x80, v4, vm0, $0xb8;
	[tilespmem:$0x18400] =	vst v63  }
0xc0: {  	s17 =	simm.s32 $0x2400  }
0xc1: {  	[tilespmem:s17], [sflag:$0x1] =	stream.indirect_vreg.gather [hbm4b:s2+s3], $0x80, v3, vm0, $0xb8;
	[tilespmem:$0x18400] =	vst v63  }
0xc2: {  	_ = 	snop  }
0xc3: {  	[tilespmem:s31], [sflag:$0x1] =	stream.indirect_vreg.gather [hbm4b:s5+s3], $0x80, v3, vm0, $0xb8;
	[tilespmem:$0x18400] =	vst v63  }
0xc4: {  	s17 =	simm.s32 $0x3400  }
0xc5: {  	[tilespmem:s17], [sflag:$0x1] =	stream.indirect_vreg.gather [hbm4b:s6+s3], $0x80, v3, vm0, $0xb8;
	[tilespmem:$0x18400] =	vst v63  }
0xc6: {  	_ = 	snop  }
0xc7: {  	[tilespmem:s1], [sflag:$0x1] =	stream.indirect_vreg.gather [hbm4b:s7+s3], $0x80, v3, vm0, $0xb8;
	[tilespmem:$0x18400] =	vst v63  }
0xc8: {  	v3 =	vld [tilespmem:s23+$0x30];
	_ =	sdelay $0x4  }
0xc9: {  	v62 =	vshll.u32 v3, $0x3  }
0xca: {  	v3 =	vand.u32 $0x7, v3;
	v4 =	vand.u32 $0xFFFFFFC0, v62  }
0xcb: {  	v3 =	vor.u32 v3, v4  }
0xcc: {  	v4 =	vperm.xlane v3, v0;
	_ =	sdelay $0x1  }
0xcd: {  	v4 =	vadd.s32 v1, v4;
	_ =	sdelay $0x4  }
0xce: {  	[tilespmem:s4], [sflag:$0x1] =	stream.indirect_vreg.gather [hbm4b:s2+s3], $0x80, v4, vm0, $0xb8;
	[tilespmem:$0x18400] =	vst v63  }
0xcf: {  	v3 =	vperm.xlane v3, v2  }
0xd0: {  	[tilespmem:s8], [sflag:$0x1] =	stream.indirect_vreg.gather [hbm4b:s5+s3], $0x80, v4, vm0, $0xb8;
	[tilespmem:$0x18400] =	vst v63  }
0xd1: {  	v3 =	vadd.s32 v1, v3  }
0xd2: {  	[tilespmem:s9], [sflag:$0x1] =	stream.indirect_vreg.gather [hbm4b:s6+s3], $0x80, v4, vm0, $0xb8;
	[tilespmem:$0x18400] =	vst v63  }
0xd3: {  	_ = 	snop  }
0xd4: {  	[tilespmem:s10], [sflag:$0x1] =	stream.indirect_vreg.gather [hbm4b:s7+s3], $0x80, v4, vm0, $0xb8;
	[tilespmem:$0x18400] =	vst v63  }
0xd5: {  	s17 =	simm.s32 $0x6400  }
0xd6: {  	[tilespmem:s17], [sflag:$0x1] =	stream.indirect_vreg.gather [hbm4b:s2+s3], $0x80, v3, vm0, $0xb8;
	[tilespmem:$0x18400] =	vst v63  }
0xd7: {  	s17 =	simm.s32 $0x6C00  }
0xd8: {  	[tilespmem:s17], [sflag:$0x1] =	stream.indirect_vreg.gather [hbm4b:s5+s3], $0x80, v3, vm0, $0xb8;
	[tilespmem:$0x18400] =	vst v63  }
0xd9: {  	s17 =	simm.s32 $0x7400  }
0xda: {  	[tilespmem:s17], [sflag:$0x1] =	stream.indirect_vreg.gather [hbm4b:s6+s3], $0x80, v3, vm0, $0xb8;
	[tilespmem:$0x18400] =	vst v63  }
0xdb: {  	s17 =	simm.s32 $0x7C00  }
0xdc: {  	[tilespmem:s17], [sflag:$0x1] =	stream.indirect_vreg.gather [hbm4b:s7+s3], $0x80, v3, vm0, $0xb8;
	[tilespmem:$0x18400] =	vst v63  }
0xdd: {  	v3 =	vld [tilespmem:s23+$0x40];
	_ =	sdelay $0x4  }
0xde: {  	v63 =	vshll.u32 v3, $0x3  }
0xdf: {  	v3 =	vand.u32 $0x7, v3;
	v4 =	vand.u32 $0xFFFFFFC0, v63  }
0xe0: {  	v3 =	vor.u32 v3, v4  }
0xe1: {  	v4 =	vperm.xlane v3, v0;
	_ =	sdelay $0x1  }
0xe2: {  	v4 =	vadd.s32 v1, v4;
	_ =	sdelay $0x3  }
0xe3: {  	s17 =	simm.s32 $0x8400  }
0xe4: {  	[tilespmem:s17], [sflag:$0x1] =	stream.indirect_vreg.gather [hbm4b:s2+s3], $0x80, v4, vm0, $0xb8;
	[tilespmem:$0x18400] =	vst v63  }
0xe5: {  	v3 =	vperm.xlane v3, v2  }
0xe6: {  	[tilespmem:s19], [sflag:$0x1] =	stream.indirect_vreg.gather [hbm4b:s5+s3], $0x80, v4, vm0, $0xb8;
	[tilespmem:$0x18400] =	vst v63  }
0xe7: {  	v3 =	vadd.s32 v1, v3;
	s17 =	simm.s32 $0x9400  }
0xe8: {  	[tilespmem:s17], [sflag:$0x1] =	stream.indirect_vreg.gather [hbm4b:s6+s3], $0x80, v4, vm0, $0xb8;
	[tilespmem:$0x18400] =	vst v63  }
0xe9: {  	s17 =	simm.s32 $0x9C00  }
0xea: {  	[tilespmem:s17], [sflag:$0x1] =	stream.indirect_vreg.gather [hbm4b:s7+s3], $0x80, v4, vm0, $0xb8;
	[tilespmem:$0x18400] =	vst v63  }
0xeb: {  	_ = 	snop  }
0xec: {  	[tilespmem:s16], [sflag:$0x1] =	stream.indirect_vreg.gather [hbm4b:s2+s3], $0x80, v3, vm0, $0xb8;
	[tilespmem:$0x18400] =	vst v63  }
0xed: {  	s17 =	simm.s32 $0xAC00  }
0xee: {  	[tilespmem:s17], [sflag:$0x1] =	stream.indirect_vreg.gather [hbm4b:s5+s3], $0x80, v3, vm0, $0xb8;
	[tilespmem:$0x18400] =	vst v63  }
0xef: {  	s17 =	simm.s32 $0xB400  }
0xf0: {  	[tilespmem:s17], [sflag:$0x1] =	stream.indirect_vreg.gather [hbm4b:s6+s3], $0x80, v3, vm0, $0xb8;
	[tilespmem:$0x18400] =	vst v63  }
0xf1: {  	s17 =	simm.s32 $0xBC00  }
0xf2: {  	[tilespmem:s17], [sflag:$0x1] =	stream.indirect_vreg.gather [hbm4b:s7+s3], $0x80, v3, vm0, $0xb8;
	[tilespmem:$0x18400] =	vst v63  }
0xf3: {  	_ =	swait.ge [sflag:s22], $0xC000  }
0xf4: {  	p0 =	sne.s32 s24, $0x1B000;
	[sflag:s22] =	ssyncset.done $0x0  }
.Ltmp0:
0xf5: {  	s25 =	sadd.s32 $0x1800, s25;
	[sflag:s22] =	ssyncadd.s32 $0xFFFF4000;
	(pc) =	sbr.rel @p0 .LBB2_2-.Ltmp0, $4  }
0xf6: {  	[hbm4b:s25+s3] =	stream.linear.scatter [tilespmem:s11], [sflag:$0x3], $0xC000, $0x38;
	[tilespmem:$0x18400] =	vst v63  }
0xf7: {  	_ =	swait.ge [sflag:s12], $0xC000  }
0xf8: {  	[sflag:s12] =	ssyncset.done $0x0  }
0xf9: {  	s24 =	sadd.s32 $0x3000, s24;
	s23 =	sadd.s32 $0x60, s23;
	[sflag:s12] =	ssyncadd.s32 $0xFFFF4000  }
0xfa: {  	v3 =	vld [tilespmem:$0x3F0];
	_ =	sdelay $0x4  }
0xfb: {  	v4 =	vshll.u32 v3, $0x3  }
0xfc: {  	v3 =	vand.u32 $0x7, v3;
	v4 =	vand.u32 $0xFFFFFFC0, v4  }
0xfd: {  	v3 =	vor.u32 v3, v4  }
0xfe: {  	v4 =	vperm.xlane v3, v0;
	_ =	sdelay $0x1  }
0xff: {  	v4 =	vadd.s32 v1, v4;
	_ =	sdelay $0x4  }
0x100: {  	[tilespmem:s11], [sflag:$0x2] =	stream.indirect_vreg.gather [hbm4b:s2+s3], $0x80, v4, vm0, $0xb8;
	[tilespmem:$0x18400] =	vst v63  }
0x101: {  	v3 =	vperm.xlane v3, v2  }
0x102: {  	[tilespmem:s18], [sflag:$0x2] =	stream.indirect_vreg.gather [hbm4b:s5+s3], $0x80, v4, vm0, $0xb8;
	[tilespmem:$0x18400] =	vst v63  }
0x103: {  	v3 =	vadd.s32 v1, v3  }
0x104: {  	[tilespmem:s20], [sflag:$0x2] =	stream.indirect_vreg.gather [hbm4b:s6+s3], $0x80, v4, vm0, $0xb8;
	[tilespmem:$0x18400] =	vst v63  }
0x105: {  	_ = 	snop  }
0x106: {  	[tilespmem:s30], [sflag:$0x2] =	stream.indirect_vreg.gather [hbm4b:s7+s3], $0x80, v4, vm0, $0xb8;
	[tilespmem:$0x18400] =	vst v63  }
0x107: {  	_ = 	snop  }
0x108: {  	[tilespmem:s0], [sflag:$0x2] =	stream.indirect_vreg.gather [hbm4b:s2+s3], $0x80, v3, vm0, $0xb8;
	[tilespmem:$0x18400] =	vst v63  }
0x109: {  	_ = 	snop  }
0x10a: {  	[tilespmem:s14], [sflag:$0x2] =	stream.indirect_vreg.gather [hbm4b:s5+s3], $0x80, v3, vm0, $0xb8;
	[tilespmem:$0x18400] =	vst v63  }
0x10b: {  	_ = 	snop  }
0x10c: {  	[tilespmem:s15], [sflag:$0x2] =	stream.indirect_vreg.gather [hbm4b:s6+s3], $0x80, v3, vm0, $0xb8;
	[tilespmem:$0x18400] =	vst v63  }
0x10d: {  	s19 =	simm.s32 $0xFC00  }
0x10e: {  	[tilespmem:s19], [sflag:$0x2] =	stream.indirect_vreg.gather [hbm4b:s7+s3], $0x80, v3, vm0, $0xb8;
	[tilespmem:$0x18400] =	vst v63  }
0x10f: {  	_ =	swait.ge [sflag:s21], $0xC000  }
0x110: {  	[sflag:s21] =	ssyncset.done $0x0  }
0x111: {  	s23 =	rddreg [dreg:$0x17];
	[sflag:s21] =	ssyncadd.s32 $0xFFFF4000  }
0x112: {  	[hbm4b:s23+s3] =	stream.linear.scatter [tilespmem:s13], [sflag:$0x3], $0xC000, $0x38;
	[tilespmem:$0x18400] =	vst v63  }
0x113: {  	_ =	swait.ge [sflag:s12], $0xC000  }
0x114: {  	[sflag:s12] =	ssyncset.done $0x0  }
0x115: {  	[sflag:s12] =	ssyncadd.s32 $0xFFFF4000  }
0x116: {  	_ =	swait.ge [sflag:s22], $0x4000  }
0x117: {  	[sflag:s22] =	ssyncset.done $0x0  }
0x118: {  	s28 =	simm.s32 $0x2400;
	s20 =	rddreg [dreg:$0x18];
	[sflag:s22] =	ssyncadd.s32 $0xFFFFC000  }
0x119: {  	[hbm4b:s20+s3] =	stream.linear.scatter [tilespmem:s11], [sflag:$0x3], $0x4000, $0x38;
	[tilespmem:$0x18400] =	vst v63  }
0x11a: {  	s29 =	simm.s32 $0x2C00;
	s1 =	simm.s32 $0x3C00;
	_ =	swait.ge [sflag:s12], $0x4000  }
0x11b: {  	s4 =	simm.s32 $0x4400;
	s8 =	simm.s32 $0x4C00;
	s24 =	rddreg [dreg:$0x1a]  }
0x11c: {  	s9 =	simm.s32 $0x5400;
	s25 =	rddreg [dreg:$0x19];
	s0 =	sadd.s32 $0x1, s24  }
0x11d: {  	s10 =	simm.s32 $0x5C00;
	s16 =	simm.s32 $0x7C00;
	p0 =	sne.s32 s0, s25  }
.Ltmp1:
0x11e: {  	s17 =	simm.s32 $0x8400;
	s31 =	simm.s32 $0xA400;
	(pc) =	sbr.rel @p0 .LBB2_1-.Ltmp1, $4  }
0x11f: {  	s18 =	simm.s32 $0x8C00;
	s30 =	simm.s32 $0x3400;
	s14 =	simm.s32 $0x6C00  }
0x120: {  	s15 =	simm.s32 $0x7400;
	s19 =	simm.s32 $0x9400;
	[sflag:s12] =	ssyncset.done $0x0  }
0x121: {  	s20 =	simm.s32 $0x9C00;
	[sflag:s12] =	ssyncadd.s32 $0xFFFFC000;
	s24 =	simm.s32 $0x1400  }
0x122: {  	[dreg:$0x1a] =	wrdreg s0;
	s25 =	simm.s32 $0x1C00;
	s0 =	simm.s32 $0x6400  }
0x123: {  	_ =	sfence.sel $0x180000  }
0x124: {  	[bflag:$0x0] =	sbarrier.arrive $0xFFFF  }
0x125: {  	_ =	strace $0x90000047  }
0x126: {  	s0 =	stileid.u32;
	[bflag:$0x2] =	sbarrier.arrive $0xFFFF  }
0x127: {  	p0 =	sne.s32 s0, $0x0;
	s0 =	rddreg [dreg:$0x3]  }
0x128: {  	s0 =	sadd.s32 @!p0 $0x100000, s0  }
0x129: {  	[sflag:s0] =	ssyncadd.tile.s32 @!p0 $0x1;
	_ =	shalt  }
.Lfunc_end2:
_tile_overlayer_lowered:
.L_overlay_start_2:
0x12a: {  	(tag) =	ssettag $0x2  }
0x12b: {  	s0 =	rddreg [dreg:$0x0];
	s2 =	stileid.u32  }
0x12c: {  	s1 =	rddreg [dreg:$0x1];
	p0 =	sne.s32 s2, $0x0  }
0x12d: {  	s3 =	rddreg [dreg:$0x2];
	[bflag:$0x3] =	sbarrier.arrive $0xFFFF;
	s2 =	simm.s32 @!p0 $0x1C03  }
0x12e: {  	[timem:s3], [sflag:s2] =	dma.local @!p0 [hbm:s0], s1  }
0x12f: {  	s0 =	simm.s32 @!p0 $0x3  }
0x130: {  	_ =	swait.ge @!p0 [sflag:s0], s1  }
0x131: {  	s1 =	ssub.s32 @!p0 $0x0, s1;
	[sflag:s0] =	ssyncset.done @!p0 $0x0  }
0x132: {  	[sflag:s0] =	ssyncadd.s32 @!p0 s1  }
0x133: {  	[bflag:$0x3] =	sbarrier.arrive $0xFFFF  }
0x134: {  	_ =	shalt  }

</sc_bundles>
